<compile_context>
chip_gen: v7x
topology: tpu7x:2x2x1
jax: 0.10.2.dev20260603
libtpu: 0.0.44.dev20260713+nightly
codegen_flags: <defaults>
</compile_context>

<pallas_src>
import functools

import jax
import jax.numpy as jnp
from jax import lax
from jax.experimental import pallas as pl
from jax.experimental.pallas import tpu as pltpu
from jax.experimental.pallas import tpu_sc as plsc

EMBED = 32
NCODES = 8192
ROWS = 16 * 1024
ROW_BLK = 512
N_ROW_BLKS = ROWS // ROW_BLK
COL_BLK = 1024
N_COL_BLKS = NCODES // COL_BLK
CCOST = 0.25



def _argmin_body(x_ref, wt_ref, sw_ref, idx_ref):
    xt = x_ref[...]
    xb = xt.astype(jnp.bfloat16)
    sx = jnp.sum(xt * xt, axis=1, keepdims=True)
    best_d = jnp.full((ROW_BLK,), jnp.inf, jnp.float32)
    best_i = jnp.zeros((ROW_BLK,), jnp.int32)
    for c in range(N_COL_BLKS):
        wt = wt_ref[:, c * COL_BLK:(c + 1) * COL_BLK]
        sw = sw_ref[:, c * COL_BLK:(c + 1) * COL_BLK]
        sc = lax.dot_general(xb, wt,
                             (((1,), (0,)), ((), ())),
                             preferred_element_type=jnp.float32)
        d = (sx + sw) - 2.0 * sc
        m = jnp.min(d, axis=1)
        ii = lax.broadcasted_iota(jnp.int32, (ROW_BLK, COL_BLK), 1) + c * COL_BLK
        li = jnp.min(jnp.where(d == m[:, None], ii, jnp.int32(2 ** 30)), axis=1)
        upd = m < best_d
        best_i = jnp.where(upd, li, best_i)
        best_d = jnp.where(upd, m, best_d)
    idx_ref[0, 0, :] = best_i


def _run_argmin(x2d, wt, sw):
    idx3 = pl.pallas_call(
        _argmin_body,
        grid=(N_ROW_BLKS,),
        in_specs=[
            pl.BlockSpec((ROW_BLK, EMBED), lambda i: (i, 0)),
            pl.BlockSpec((EMBED, NCODES), lambda i: (0, 0)),
            pl.BlockSpec((1, NCODES), lambda i: (0, 0)),
        ],
        out_specs=pl.BlockSpec((1, 1, ROW_BLK), lambda i: (i, 0, 0)),
        out_shape=jax.ShapeDtypeStruct((N_ROW_BLKS, 1, ROW_BLK), jnp.int32),
    )(x2d, wt, sw)
    return idx3.reshape(ROWS)



_NC = 2
_NW = 32
_B_PER_W = ROWS // _NW
_GATHER_W = 128


@functools.cache
def _make_gather_rows():
    @functools.partial(
        pl.kernel,
        mesh=plsc.VectorSubcoreMesh(core_axis_name="c", subcore_axis_name="s"),
        out_type=jax.ShapeDtypeStruct((ROWS, _GATHER_W), jnp.float32),
        scratch_types=[
            pltpu.VMEM((_B_PER_W,), jnp.int32),
            pltpu.VMEM((_B_PER_W, _GATHER_W), jnp.float32),
            pltpu.SemaphoreType.DMA,
        ],
    )
    def _gather_rows(w_hbm, idx_hbm, out_hbm, idx_v, rows_v, sem):
        wid = lax.axis_index("s") * _NC + lax.axis_index("c")
        base = wid * _B_PER_W
        pltpu.sync_copy(idx_hbm.at[pl.ds(base, _B_PER_W)], idx_v)
        pltpu.async_copy(w_hbm.at[idx_v], rows_v, sem).wait()
        pltpu.sync_copy(rows_v, out_hbm.at[pl.ds(base, _B_PER_W)])

    return _gather_rows



def _st_loss_body(x_ref, q_ref, out_ref, loss_ref):
    i = pl.program_id(0)
    x = x_ref[...]
    q = q_ref[:, :EMBED]
    d = q - x
    out_ref[...] = x + d

    @pl.when(i == 0)
    def _init():
        loss_ref[...] = jnp.zeros((1, 1), jnp.float32)

    loss_ref[...] += jnp.sum(d * d).reshape(1, 1)


def _run_st_loss(x2d, q2d):
    return pl.pallas_call(
        _st_loss_body,
        grid=(N_ROW_BLKS,),
        in_specs=[
            pl.BlockSpec((ROW_BLK, EMBED), lambda i: (i, 0)),
            pl.BlockSpec((ROW_BLK, _GATHER_W), lambda i: (i, 0)),
        ],
        out_specs=[
            pl.BlockSpec((ROW_BLK, EMBED), lambda i: (i, 0)),
            pl.BlockSpec((1, 1), lambda i: (0, 0)),
        ],
        out_shape=[
            jax.ShapeDtypeStruct((ROWS, EMBED), jnp.float32),
            jax.ShapeDtypeStruct((1, 1), jnp.float32),
        ],
    )(x2d, q2d)


def kernel(x, W):
    x2d = x.reshape(ROWS, EMBED)
    sw = jnp.sum(W ** 2, axis=1).reshape(1, NCODES)
    idx = _run_argmin(x2d, W.T, sw)
    w_pad = jnp.pad(W, ((0, 0), (0, _GATHER_W - EMBED)))
    q128 = _make_gather_rows()(w_pad, idx)
    qst, loss_sum = _run_st_loss(x2d, q128)
    m = loss_sum[0, 0] / jnp.float32(ROWS * EMBED)
    loss = m + jnp.float32(CCOST) * m
    return qst.reshape(x.shape), loss

# --- scband reference (transcript-rebuilt; emitter-appended) ---
"""Pipeline reference for scband-vector-quantizer-86870008529268 (READ-ONLY COPY).

The authoritative reference and input builder live on the scoring server;
editing this copy changes nothing except your own understanding.
"""

import jax, jax.numpy as jnp
import numpy as np

EMBED_DIM = 32
NUM_EMBEDDINGS = 8192
COMMITMENT_COST = 0.25


def setup_inputs(seed: int = 0) -> dict:
    key = jax.random.key(seed)
    k1, k2 = jax.random.split(key)
    x = jax.random.normal(k1, (16, 1024, EMBED_DIM), dtype=jnp.float32)
    # learned codebook (nn.Embedding weight), default init ~ N(0,1)
    W = jax.random.normal(k2, (NUM_EMBEDDINGS, EMBED_DIM), dtype=jnp.float32)
    return {"x": x, "W": W}


def reference(x, W):
    flat_x = x.reshape(-1, EMBED_DIM)
    # squared L2 distances to all codebook entries
    distances = (jnp.sum(flat_x ** 2, axis=1, keepdims=True)
                 + jnp.sum(W ** 2, axis=1)
                 - 2.0 * jnp.matmul(flat_x, W.T))
    encoding_indices = jnp.argmin(distances, axis=1)
    quantized = jnp.take(W, encoding_indices, axis=0).reshape(x.shape)
    q_latent_loss = jnp.mean((quantized - jax.lax.stop_gradient(x)) ** 2)
    e_latent_loss = jnp.mean((x - jax.lax.stop_gradient(quantized)) ** 2)
    loss = q_latent_loss + COMMITMENT_COST * e_latent_loss
    # straight-through estimator
    quantized_st = x + jax.lax.stop_gradient(quantized - x)
    return (quantized_st, loss)

if __name__ == "__main__":
    import jax
    _d = setup_inputs()
    print(jax.jit(kernel)(*tuple(_d.values())))

</pallas_src>

<mosaic_0001>
#map = affine_map<(d0, d1) -> (0, 0)>
#map1 = affine_map<(d0, d1) -> (0)>
module attributes {stable_mosaic.version = 14 : i64} {
  func.func @_gather_rows(%arg0: i32, %arg1: i32, %arg2: memref<8192x128xf32, #tpu.memory_space<hbm>>, %arg3: memref<16384xi32, #tpu.memory_space<hbm>>, %arg4: memref<16384x128xf32, #tpu.memory_space<hbm>>, %arg5: memref<512xi32, #tpu.memory_space<vmem>>, %arg6: memref<512x128xf32, #tpu.memory_space<vmem>>, %arg7: memref<!tpu.dma_semaphore, #tpu.memory_space<semaphore_mem>>) attributes {dimension_semantics = [#tpu.dimension_semantics<core_parallel>, #tpu.dimension_semantics<subcore_parallel>], iteration_bounds = array<i64: 2, 16>, scalar_prefetch = 0 : i64, scratch_operands = 3 : i64, tpu.core_type = #tpu.core_type<sc_vector_subcore>, window_params = [{transform_indices = #map}, {transform_indices = #map1}, {transform_indices = #map}]} {
    %mul3A = arith.constant 2 : i32
    %mul3A_0 = arith.muli %arg1, %mul3A : i32
    %add3A = arith.addi %mul3A_0, %arg0 : i32
    %mul3A_1 = arith.constant 512 : i32
    %mul3A_2 = arith.muli %add3A, %mul3A_1 : i32
    "tpu.region"() ({
      %run_scoped3A = tpu.sem_alloc : memref<!tpu.dma_semaphore, #tpu.memory_space<semaphore_mem>>
      %dma_start3A_7 = tpu.memref_slice %arg3[%mul3A_2] : memref<16384xi32, #tpu.memory_space<hbm>> -> memref<512xi32, #tpu.memory_space<hbm>>
      %dma_start3A_8 = tpu.memref_slice %arg3[%mul3A_2] : memref<16384xi32, #tpu.memory_space<hbm>> -> memref<512xi32, #tpu.memory_space<hbm>>
      tpu.enqueue_dma source(%dma_start3A_8 : memref<512xi32, #tpu.memory_space<hbm>>) target(%arg5 : memref<512xi32, #tpu.memory_space<vmem>>) target_semaphore(%run_scoped3A : memref<!tpu.dma_semaphore, #tpu.memory_space<semaphore_mem>>)
      %dma_wait3A_9 = tpu.memref_slice %arg3[%mul3A_2] : memref<16384xi32, #tpu.memory_space<hbm>> -> memref<512xi32, #tpu.memory_space<hbm>>
      %dma_wait3A_10 = tpu.memref_slice %arg3[%mul3A_2] : memref<16384xi32, #tpu.memory_space<hbm>> -> memref<512xi32, #tpu.memory_space<hbm>>
      tpu.wait_dma2 semaphore(%run_scoped3A : memref<!tpu.dma_semaphore, #tpu.memory_space<semaphore_mem>>) src(%dma_wait3A_10 : memref<512xi32, #tpu.memory_space<hbm>>) dst(%arg5 : memref<512xi32, #tpu.memory_space<vmem>>)
      tpu.yield
    }) : () -> ()
    %dma_start3A = arith.constant 0 : i32
    %dma_start3A_3 = arith.constant 0 : i32
    %dma_start3A_4 = tpu.memref_slice %arg2[%dma_start3A, %dma_start3A_3] : memref<8192x128xf32, #tpu.memory_space<hbm>> -> memref<8192x128xf32, #tpu.memory_space<hbm>>
    tpu.enqueue_indirect_dma source(%dma_start3A_4 : memref<8192x128xf32, #tpu.memory_space<hbm>>) target(%arg6 : memref<512x128xf32, #tpu.memory_space<vmem>>) offsets(%arg5 : memref<512xi32, #tpu.memory_space<vmem>>) semaphore(%arg7 : memref<!tpu.dma_semaphore, #tpu.memory_space<semaphore_mem>>)
    %dma_wait3A = arith.constant 0 : i32
    %dma_wait3A_5 = arith.constant 0 : i32
    %dma_wait3A_6 = tpu.memref_slice %arg2[%dma_wait3A, %dma_wait3A_5] : memref<8192x128xf32, #tpu.memory_space<hbm>> -> memref<8192x128xf32, #tpu.memory_space<hbm>>
    tpu.wait_indirect_dma semaphore(%arg7 : memref<!tpu.dma_semaphore, #tpu.memory_space<semaphore_mem>>) src(%dma_wait3A_6 : memref<8192x128xf32, #tpu.memory_space<hbm>>) dst(%arg6 : memref<512x128xf32, #tpu.memory_space<vmem>>)
    "tpu.region"() ({
      %run_scoped3A = tpu.sem_alloc : memref<!tpu.dma_semaphore, #tpu.memory_space<semaphore_mem>>
      %dma_start3A_7 = arith.constant 0 : i32
      %dma_start3A_8 = tpu.memref_slice %arg4[%mul3A_2, %dma_start3A_7] : memref<16384x128xf32, #tpu.memory_space<hbm>> -> memref<512x128xf32, #tpu.memory_space<hbm>>
      %dma_start3A_9 = arith.constant 0 : i32
      %dma_start3A_10 = tpu.memref_slice %arg4[%mul3A_2, %dma_start3A_9] : memref<16384x128xf32, #tpu.memory_space<hbm>> -> memref<512x128xf32, #tpu.memory_space<hbm>>
      tpu.enqueue_dma source(%arg6 : memref<512x128xf32, #tpu.memory_space<vmem>>) target(%dma_start3A_10 : memref<512x128xf32, #tpu.memory_space<hbm>>) target_semaphore(%run_scoped3A : memref<!tpu.dma_semaphore, #tpu.memory_space<semaphore_mem>>)
      %dma_wait3A_11 = arith.constant 0 : i32
      %dma_wait3A_12 = tpu.memref_slice %arg4[%mul3A_2, %dma_wait3A_11] : memref<16384x128xf32, #tpu.memory_space<hbm>> -> memref<512x128xf32, #tpu.memory_space<hbm>>
      %dma_wait3A_13 = arith.constant 0 : i32
      %dma_wait3A_14 = tpu.memref_slice %arg4[%mul3A_2, %dma_wait3A_13] : memref<16384x128xf32, #tpu.memory_space<hbm>> -> memref<512x128xf32, #tpu.memory_space<hbm>>
      tpu.wait_dma2 semaphore(%run_scoped3A : memref<!tpu.dma_semaphore, #tpu.memory_space<semaphore_mem>>) src(%arg6 : memref<512x128xf32, #tpu.memory_space<vmem>>) dst(%dma_wait3A_14 : memref<512x128xf32, #tpu.memory_space<hbm>>)
      tpu.yield
    }) : () -> ()
    return
  }
}

module attributes {stable_mosaic.version = 14 : i64} {
  func.func @_st_loss_body(%arg0: i32, %arg1: memref<512x32xf32, #tpu.memory_space<vmem>>, %arg2: memref<512x128xf32, #tpu.memory_space<vmem>>, %arg3: memref<512x32xf32, #tpu.memory_space<vmem>>, %arg4: memref<1x1xf32, #tpu.memory_space<vmem>>) attributes {dimension_semantics = [#tpu.dimension_semantics<arbitrary>], iteration_bounds = array<i64: 32>, scalar_prefetch = 0 : i64, scratch_operands = 0 : i64, tpu.core_type = #tpu.core_type<tc>, window_params = [{transform_indices = @transform_0, window_bounds = array<i64: 512, 32>}, {transform_indices = @transform_1, window_bounds = array<i64: 512, 128>}, {transform_indices = @transform_2, window_bounds = array<i64: 512, 32>}, {pipeline_mode = #tpu.pipeline_mode<synchronous>, transform_indices = @transform_3, window_bounds = array<i64: 1, 1>}]} {
    %get3A = arith.constant 0 : index
    %get3A_0 = arith.constant 0 : index
    %get3A_1 = vector.load %arg1[%get3A, %get3A_0] : memref<512x32xf32, #tpu.memory_space<vmem>>, vector<512x32xf32>
    %get3A_2 = arith.constant 0 : index
    %get3A_3 = arith.constant 0 : index
    %get3A_4 = vector.load %arg2[%get3A_2, %get3A_3] : memref<512x128xf32, #tpu.memory_space<vmem>>, vector<512x32xf32>
    %sub3A = arith.subf %get3A_4, %get3A_1 : vector<512x32xf32>
    %add3A = arith.addf %get3A_1, %sub3A : vector<512x32xf32>
    %swap3A = arith.constant 0 : index
    %swap3A_5 = arith.constant 0 : index
    %swap3A_6 = vector.load %arg3[%swap3A, %swap3A_5] : memref<512x32xf32, #tpu.memory_space<vmem>>, vector<512x32xf32>
    tpu.vector_store %arg3[%swap3A, %swap3A_5], %add3A {strides = array<i32>} : memref<512x32xf32, #tpu.memory_space<vmem>>, vector<512x32xf32>,
    %eq3A = arith.constant 0 : i32
    %eq3A_7 = arith.cmpi eq, %arg0, %eq3A : i32
    %convert_element_type3A = arith.extui %eq3A_7 : i1 to i32
    %cond3A = arith.constant 0 : i32
    %cond3A_8 = arith.cmpi ne, %convert_element_type3A, %cond3A : i32
    scf.if %cond3A_8 {
      %broadcast_in_dim3A = arith.constant 0.000000e+00 : f32
      %broadcast_in_dim3A_20 = vector.broadcast %broadcast_in_dim3A : f32 to vector<1x1xf32>
      %swap3A_21 = arith.constant 0 : index
      %swap3A_22 = arith.constant 0 : index
      %swap3A_23 = vector.load %arg4[%swap3A_21, %swap3A_22] : memref<1x1xf32, #tpu.memory_space<vmem>>, vector<1x1xf32>
      tpu.vector_store %arg4[%swap3A_21, %swap3A_22], %broadcast_in_dim3A_20 {strides = array<i32>} : memref<1x1xf32, #tpu.memory_space<vmem>>, vector<1x1xf32>,
    } else {
    }
    %get3A_9 = arith.constant 0 : index
    %get3A_10 = arith.constant 0 : index
    %get3A_11 = vector.load %arg4[%get3A_9, %get3A_10] : memref<1x1xf32, #tpu.memory_space<vmem>>, vector<1x1xf32>
    %mul3A = arith.mulf %sub3A, %sub3A : vector<512x32xf32>
    %reduce_sum3A = vector.shape_cast %mul3A : vector<512x32xf32> to vector<1x512x32xf32>
    %reduce_sum3A_12 = arith.constant dense<0.000000e+00> : vector<1xf32>
    %reduce_sum3A_13 = vector.multi_reduction <add>, %reduce_sum3A, %reduce_sum3A_12 [1, 2] : vector<1x512x32xf32> to vector<1xf32>
    %reduce_sum3A_14 = vector.shape_cast %reduce_sum3A_13 : vector<1xf32> to vector<1x1x1xf32>
    %reduce_sum3A_15 = vector.extract %reduce_sum3A_14[0, 0, 0] : f32 from vector<1x1x1xf32>
    %reshape3A = vector.broadcast %reduce_sum3A_15 : f32 to vector<1x1xf32>
    %add3A_16 = arith.addf %get3A_11, %reshape3A : vector<1x1xf32>
    %swap3A_17 = arith.constant 0 : index
    %swap3A_18 = arith.constant 0 : index
    %swap3A_19 = vector.load %arg4[%swap3A_17, %swap3A_18] : memref<1x1xf32, #tpu.memory_space<vmem>>, vector<1x1xf32>
    tpu.vector_store %arg4[%swap3A_17, %swap3A_18], %add3A_16 {strides = array<i32>} : memref<1x1xf32, #tpu.memory_space<vmem>>, vector<1x1xf32>,
    return
  }
  func.func @transform_0(%arg0: i32) -> (i32, i32) {
    %c0_i32 = arith.constant 0 : i32
    %c0_i32_0 = arith.constant 0 : i32
    return %arg0, %c0_i32 : i32, i32
  }
  func.func @transform_1(%arg0: i32) -> (i32, i32) {
    %c0_i32 = arith.constant 0 : i32
    %c0_i32_0 = arith.constant 0 : i32
    return %arg0, %c0_i32 : i32, i32
  }
  func.func @transform_2(%arg0: i32) -> (i32, i32) {
    %c0_i32 = arith.constant 0 : i32
    %c0_i32_0 = arith.constant 0 : i32
    return %arg0, %c0_i32 : i32, i32
  }
  func.func @transform_3(%arg0: i32) -> (i32, i32) {
    %c0_i32 = arith.constant 0 : i32
    %c0_i32_0 = arith.constant 0 : i32
    %c0_i32_1 = arith.constant 0 : i32
    return %c0_i32, %c0_i32_0 : i32, i32
  }
}

module attributes {stable_mosaic.version = 14 : i64} {
  func.func @_argmin_body(%arg0: i32, %arg1: memref<512x32xf32, #tpu.memory_space<vmem>>, %arg2: memref<32x8192xf32, #tpu.memory_space<vmem>>, %arg3: memref<1x8192xf32, #tpu.memory_space<vmem>>, %arg4: memref<1x1x512xi32, #tpu.memory_space<vmem>>) attributes {dimension_semantics = [#tpu.dimension_semantics<arbitrary>], iteration_bounds = array<i64: 32>, scalar_prefetch = 0 : i64, scratch_operands = 0 : i64, tpu.core_type = #tpu.core_type<tc>, window_params = [{transform_indices = @transform_0, window_bounds = array<i64: 512, 32>}, {pipeline_mode = #tpu.pipeline_mode<synchronous>, transform_indices = @transform_1, window_bounds = array<i64: 32, 8192>}, {pipeline_mode = #tpu.pipeline_mode<synchronous>, transform_indices = @transform_2, window_bounds = array<i64: 1, 8192>}, {transform_indices = @transform_3, window_bounds = array<i64: 1, 1, 512>}]} {
    %get3A = arith.constant 0 : index
    %get3A_0 = arith.constant 0 : index
    %get3A_1 = vector.load %arg1[%get3A, %get3A_0] : memref<512x32xf32, #tpu.memory_space<vmem>>, vector<512x32xf32>
    %convert_element_type3A = arith.truncf %get3A_1 : vector<512x32xf32> to vector<512x32xbf16>
    %mul3A = arith.mulf %get3A_1, %get3A_1 : vector<512x32xf32>
    %reduce_sum3A = arith.constant dense<0.000000e+00> : vector<512xf32>
    %reduce_sum3A_2 = vector.multi_reduction <add>, %mul3A, %reduce_sum3A [1] : vector<512x32xf32> to vector<512xf32>
    %broadcast_in_dim3A = vector.shape_cast %reduce_sum3A_2 : vector<512xf32> to vector<512x1xf32>
    %broadcast_in_dim3A_3 = arith.constant 0x7F800000 : f32
    %broadcast_in_dim3A_4 = vector.broadcast %broadcast_in_dim3A_3 : f32 to vector<512xf32>
    %broadcast_in_dim3A_5 = arith.constant 0 : i32
    %broadcast_in_dim3A_6 = vector.broadcast %broadcast_in_dim3A_5 : i32 to vector<512xi32>
    %get3A_7 = arith.constant 0 : index
    %get3A_8 = arith.constant 0 : index
    %get3A_9 = vector.load %arg2[%get3A_7, %get3A_8] : memref<32x8192xf32, #tpu.memory_space<vmem>>, vector<32x1024xf32>
    %get3A_10 = arith.constant 0 : index
    %get3A_11 = arith.constant 0 : index
    %get3A_12 = vector.load %arg3[%get3A_10, %get3A_11] : memref<1x8192xf32, #tpu.memory_space<vmem>>, vector<1x1024xf32>
    %dot_general3A = arith.constant dense<0.000000e+00> : vector<512x1024xf32>
    %dot_general3A_13 = tpu.matmul %convert_element_type3A, %get3A_9, %dot_general3A {dimension_numbers = #tpu.dot_dimension_numbers<[1], [0], [0], [1], [0, 0, 1, 1], [], []>, transpose_lhs_hint = false} : vector<512x32xbf16>, vector<32x1024xf32>, vector<512x1024xf32> -> vector<512x1024xf32>
    %add3A = vector.broadcast %broadcast_in_dim3A : vector<512x1xf32> to vector<512x1024xf32>
    %add3A_14 = vector.broadcast %get3A_12 : vector<1x1024xf32> to vector<512x1024xf32>
    %add3A_15 = arith.addf %add3A, %add3A_14 : vector<512x1024xf32>
    %mul3A_16 = arith.constant 2.000000e+00 : f32
    %mul3A_17 = vector.broadcast %mul3A_16 : f32 to vector<512x1024xf32>
    %mul3A_18 = arith.mulf %mul3A_17, %dot_general3A_13 : vector<512x1024xf32>
    %sub3A = arith.subf %add3A_15, %mul3A_18 : vector<512x1024xf32>
    %reduce_min3A = arith.constant dense<0x7F800000> : vector<512xf32>
    %reduce_min3A_19 = vector.multi_reduction <minimumf>, %sub3A, %reduce_min3A [1] : vector<512x1024xf32> to vector<512xf32>
    %iota3A = tpu.iota {dimensions = array<i32: 1>} : vector<512x1024xi32>
    %add3A_20 = arith.constant 0 : i32
    %add3A_21 = vector.broadcast %add3A_20 : i32 to vector<512x1024xi32>
    %add3A_22 = arith.addi %iota3A, %add3A_21 : vector<512x1024xi32>
    %broadcast_in_dim3A_23 = vector.shape_cast %reduce_min3A_19 : vector<512xf32> to vector<512x1xf32>
    %eq3A = vector.broadcast %broadcast_in_dim3A_23 : vector<512x1xf32> to vector<512x1024xf32>
    %eq3A_24 = arith.cmpf oeq, %sub3A, %eq3A : vector<512x1024xf32>
    %jit3A = arith.constant 1073741824 : i32
    %broadcast_in_dim3A_25 = vector.broadcast %jit3A : i32 to vector<512x1024xi32>
    %select_n3A = arith.select %eq3A_24, %add3A_22, %broadcast_in_dim3A_25 : vector<512x1024xi1>, vector<512x1024xi32>
    %reduce_min3A_26 = arith.constant dense<2147483647> : vector<512xi32>
    %reduce_min3A_27 = vector.multi_reduction <minsi>, %select_n3A, %reduce_min3A_26 [1] : vector<512x1024xi32> to vector<512xi32>
    %lt3A = arith.cmpf olt, %reduce_min3A_19, %broadcast_in_dim3A_4 : vector<512xf32>
    %select_n3A_28 = arith.select %lt3A, %reduce_min3A_27, %broadcast_in_dim3A_6 : vector<512xi1>, vector<512xi32>
    %select_n3A_29 = arith.select %lt3A, %reduce_min3A_19, %broadcast_in_dim3A_4 : vector<512xi1>, vector<512xf32>
    %get3A_30 = arith.constant 0 : index
    %get3A_31 = arith.constant 1024 : index
    %get3A_32 = vector.load %arg2[%get3A_30, %get3A_31] : memref<32x8192xf32, #tpu.memory_space<vmem>>, vector<32x1024xf32>
    %get3A_33 = arith.constant 0 : index
    %get3A_34 = arith.constant 1024 : index
    %get3A_35 = vector.load %arg3[%get3A_33, %get3A_34] : memref<1x8192xf32, #tpu.memory_space<vmem>>, vector<1x1024xf32>
    %dot_general3A_36 = arith.constant dense<0.000000e+00> : vector<512x1024xf32>
    %dot_general3A_37 = tpu.matmul %convert_element_type3A, %get3A_32, %dot_general3A_36 {dimension_numbers = #tpu.dot_dimension_numbers<[1], [0], [0], [1], [0, 0, 1, 1], [], []>, transpose_lhs_hint = false} : vector<512x32xbf16>, vector<32x1024xf32>, vector<512x1024xf32> -> vector<512x1024xf32>
    %add3A_38 = vector.broadcast %broadcast_in_dim3A : vector<512x1xf32> to vector<512x1024xf32>
    %add3A_39 = vector.broadcast %get3A_35 : vector<1x1024xf32> to vector<512x1024xf32>
    %add3A_40 = arith.addf %add3A_38, %add3A_39 : vector<512x1024xf32>
    %mul3A_41 = arith.constant 2.000000e+00 : f32
    %mul3A_42 = vector.broadcast %mul3A_41 : f32 to vector<512x1024xf32>
    %mul3A_43 = arith.mulf %mul3A_42, %dot_general3A_37 : vector<512x1024xf32>
    %sub3A_44 = arith.subf %add3A_40, %mul3A_43 : vector<512x1024xf32>
    %reduce_min3A_45 = arith.constant dense<0x7F800000> : vector<512xf32>
    %reduce_min3A_46 = vector.multi_reduction <minimumf>, %sub3A_44, %reduce_min3A_45 [1] : vector<512x1024xf32> to vector<512xf32>
    %iota3A_47 = tpu.iota {dimensions = array<i32: 1>} : vector<512x1024xi32>
    %add3A_48 = arith.constant 1024 : i32
    %add3A_49 = vector.broadcast %add3A_48 : i32 to vector<512x1024xi32>
    %add3A_50 = arith.addi %iota3A_47, %add3A_49 : vector<512x1024xi32>
    %broadcast_in_dim3A_51 = vector.shape_cast %reduce_min3A_46 : vector<512xf32> to vector<512x1xf32>
    %eq3A_52 = vector.broadcast %broadcast_in_dim3A_51 : vector<512x1xf32> to vector<512x1024xf32>
    %eq3A_53 = arith.cmpf oeq, %sub3A_44, %eq3A_52 : vector<512x1024xf32>
    %jit3A_54 = arith.constant 1073741824 : i32
    %broadcast_in_dim3A_55 = vector.broadcast %jit3A_54 : i32 to vector<512x1024xi32>
    %select_n3A_56 = arith.select %eq3A_53, %add3A_50, %broadcast_in_dim3A_55 : vector<512x1024xi1>, vector<512x1024xi32>
    %reduce_min3A_57 = arith.constant dense<2147483647> : vector<512xi32>
    %reduce_min3A_58 = vector.multi_reduction <minsi>, %select_n3A_56, %reduce_min3A_57 [1] : vector<512x1024xi32> to vector<512xi32>
    %lt3A_59 = arith.cmpf olt, %reduce_min3A_46, %select_n3A_29 : vector<512xf32>
    %select_n3A_60 = arith.select %lt3A_59, %reduce_min3A_58, %select_n3A_28 : vector<512xi1>, vector<512xi32>
    %select_n3A_61 = arith.select %lt3A_59, %reduce_min3A_46, %select_n3A_29 : vector<512xi1>, vector<512xf32>
    %get3A_62 = arith.constant 0 : index
    %get3A_63 = arith.constant 2048 : index
    %get3A_64 = vector.load %arg2[%get3A_62, %get3A_63] : memref<32x8192xf32, #tpu.memory_space<vmem>>, vector<32x1024xf32>
    %get3A_65 = arith.constant 0 : index
    %get3A_66 = arith.constant 2048 : index
    %get3A_67 = vector.load %arg3[%get3A_65, %get3A_66] : memref<1x8192xf32, #tpu.memory_space<vmem>>, vector<1x1024xf32>
    %dot_general3A_68 = arith.constant dense<0.000000e+00> : vector<512x1024xf32>
    %dot_general3A_69 = tpu.matmul %convert_element_type3A, %get3A_64, %dot_general3A_68 {dimension_numbers = #tpu.dot_dimension_numbers<[1], [0], [0], [1], [0, 0, 1, 1], [], []>, transpose_lhs_hint = false} : vector<512x32xbf16>, vector<32x1024xf32>, vector<512x1024xf32> -> vector<512x1024xf32>
    %add3A_70 = vector.broadcast %broadcast_in_dim3A : vector<512x1xf32> to vector<512x1024xf32>
    %add3A_71 = vector.broadcast %get3A_67 : vector<1x1024xf32> to vector<512x1024xf32>
    %add3A_72 = arith.addf %add3A_70, %add3A_71 : vector<512x1024xf32>
    %mul3A_73 = arith.constant 2.000000e+00 : f32
    %mul3A_74 = vector.broadcast %mul3A_73 : f32 to vector<512x1024xf32>
    %mul3A_75 = arith.mulf %mul3A_74, %dot_general3A_69 : vector<512x1024xf32>
    %sub3A_76 = arith.subf %add3A_72, %mul3A_75 : vector<512x1024xf32>
    %reduce_min3A_77 = arith.constant dense<0x7F800000> : vector<512xf32>
    %reduce_min3A_78 = vector.multi_reduction <minimumf>, %sub3A_76, %reduce_min3A_77 [1] : vector<512x1024xf32> to vector<512xf32>
    %iota3A_79 = tpu.iota {dimensions = array<i32: 1>} : vector<512x1024xi32>
    %add3A_80 = arith.constant 2048 : i32
    %add3A_81 = vector.broadcast %add3A_80 : i32 to vector<512x1024xi32>
    %add3A_82 = arith.addi %iota3A_79, %add3A_81 : vector<512x1024xi32>
    %broadcast_in_dim3A_83 = vector.shape_cast %reduce_min3A_78 : vector<512xf32> to vector<512x1xf32>
    %eq3A_84 = vector.broadcast %broadcast_in_dim3A_83 : vector<512x1xf32> to vector<512x1024xf32>
    %eq3A_85 = arith.cmpf oeq, %sub3A_76, %eq3A_84 : vector<512x1024xf32>
    %jit3A_86 = arith.constant 1073741824 : i32
    %broadcast_in_dim3A_87 = vector.broadcast %jit3A_86 : i32 to vector<512x1024xi32>
    %select_n3A_88 = arith.select %eq3A_85, %add3A_82, %broadcast_in_dim3A_87 : vector<512x1024xi1>, vector<512x1024xi32>
    %reduce_min3A_89 = arith.constant dense<2147483647> : vector<512xi32>
    %reduce_min3A_90 = vector.multi_reduction <minsi>, %select_n3A_88, %reduce_min3A_89 [1] : vector<512x1024xi32> to vector<512xi32>
    %lt3A_91 = arith.cmpf olt, %reduce_min3A_78, %select_n3A_61 : vector<512xf32>
    %select_n3A_92 = arith.select %lt3A_91, %reduce_min3A_90, %select_n3A_60 : vector<512xi1>, vector<512xi32>
    %select_n3A_93 = arith.select %lt3A_91, %reduce_min3A_78, %select_n3A_61 : vector<512xi1>, vector<512xf32>
    %get3A_94 = arith.constant 0 : index
    %get3A_95 = arith.constant 3072 : index
    %get3A_96 = vector.load %arg2[%get3A_94, %get3A_95] : memref<32x8192xf32, #tpu.memory_space<vmem>>, vector<32x1024xf32>
    %get3A_97 = arith.constant 0 : index
    %get3A_98 = arith.constant 3072 : index
    %get3A_99 = vector.load %arg3[%get3A_97, %get3A_98] : memref<1x8192xf32, #tpu.memory_space<vmem>>, vector<1x1024xf32>
    %dot_general3A_100 = arith.constant dense<0.000000e+00> : vector<512x1024xf32>
    %dot_general3A_101 = tpu.matmul %convert_element_type3A, %get3A_96, %dot_general3A_100 {dimension_numbers = #tpu.dot_dimension_numbers<[1], [0], [0], [1], [0, 0, 1, 1], [], []>, transpose_lhs_hint = false} : vector<512x32xbf16>, vector<32x1024xf32>, vector<512x1024xf32> -> vector<512x1024xf32>
    %add3A_102 = vector.broadcast %broadcast_in_dim3A : vector<512x1xf32> to vector<512x1024xf32>
    %add3A_103 = vector.broadcast %get3A_99 : vector<1x1024xf32> to vector<512x1024xf32>
    %add3A_104 = arith.addf %add3A_102, %add3A_103 : vector<512x1024xf32>
    %mul3A_105 = arith.constant 2.000000e+00 : f32
    %mul3A_106 = vector.broadcast %mul3A_105 : f32 to vector<512x1024xf32>
    %mul3A_107 = arith.mulf %mul3A_106, %dot_general3A_101 : vector<512x1024xf32>
    %sub3A_108 = arith.subf %add3A_104, %mul3A_107 : vector<512x1024xf32>
    %reduce_min3A_109 = arith.constant dense<0x7F800000> : vector<512xf32>
    %reduce_min3A_110 = vector.multi_reduction <minimumf>, %sub3A_108, %reduce_min3A_109 [1] : vector<512x1024xf32> to vector<512xf32>
    %iota3A_111 = tpu.iota {dimensions = array<i32: 1>} : vector<512x1024xi32>
    %add3A_112 = arith.constant 3072 : i32
    %add3A_113 = vector.broadcast %add3A_112 : i32 to vector<512x1024xi32>
    %add3A_114 = arith.addi %iota3A_111, %add3A_113 : vector<512x1024xi32>
    %broadcast_in_dim3A_115 = vector.shape_cast %reduce_min3A_110 : vector<512xf32> to vector<512x1xf32>
    %eq3A_116 = vector.broadcast %broadcast_in_dim3A_115 : vector<512x1xf32> to vector<512x1024xf32>
    %eq3A_117 = arith.cmpf oeq, %sub3A_108, %eq3A_116 : vector<512x1024xf32>
    %jit3A_118 = arith.constant 1073741824 : i32
    %broadcast_in_dim3A_119 = vector.broadcast %jit3A_118 : i32 to vector<512x1024xi32>
    %select_n3A_120 = arith.select %eq3A_117, %add3A_114, %broadcast_in_dim3A_119 : vector<512x1024xi1>, vector<512x1024xi32>
    %reduce_min3A_121 = arith.constant dense<2147483647> : vector<512xi32>
    %reduce_min3A_122 = vector.multi_reduction <minsi>, %select_n3A_120, %reduce_min3A_121 [1] : vector<512x1024xi32> to vector<512xi32>
    %lt3A_123 = arith.cmpf olt, %reduce_min3A_110, %select_n3A_93 : vector<512xf32>
    %select_n3A_124 = arith.select %lt3A_123, %reduce_min3A_122, %select_n3A_92 : vector<512xi1>, vector<512xi32>
    %select_n3A_125 = arith.select %lt3A_123, %reduce_min3A_110, %select_n3A_93 : vector<512xi1>, vector<512xf32>
    %get3A_126 = arith.constant 0 : index
    %get3A_127 = arith.constant 4096 : index
    %get3A_128 = vector.load %arg2[%get3A_126, %get3A_127] : memref<32x8192xf32, #tpu.memory_space<vmem>>, vector<32x1024xf32>
    %get3A_129 = arith.constant 0 : index
    %get3A_130 = arith.constant 4096 : index
    %get3A_131 = vector.load %arg3[%get3A_129, %get3A_130] : memref<1x8192xf32, #tpu.memory_space<vmem>>, vector<1x1024xf32>
    %dot_general3A_132 = arith.constant dense<0.000000e+00> : vector<512x1024xf32>
    %dot_general3A_133 = tpu.matmul %convert_element_type3A, %get3A_128, %dot_general3A_132 {dimension_numbers = #tpu.dot_dimension_numbers<[1], [0], [0], [1], [0, 0, 1, 1], [], []>, transpose_lhs_hint = false} : vector<512x32xbf16>, vector<32x1024xf32>, vector<512x1024xf32> -> vector<512x1024xf32>
    %add3A_134 = vector.broadcast %broadcast_in_dim3A : vector<512x1xf32> to vector<512x1024xf32>
    %add3A_135 = vector.broadcast %get3A_131 : vector<1x1024xf32> to vector<512x1024xf32>
    %add3A_136 = arith.addf %add3A_134, %add3A_135 : vector<512x1024xf32>
    %mul3A_137 = arith.constant 2.000000e+00 : f32
    %mul3A_138 = vector.broadcast %mul3A_137 : f32 to vector<512x1024xf32>
    %mul3A_139 = arith.mulf %mul3A_138, %dot_general3A_133 : vector<512x1024xf32>
    %sub3A_140 = arith.subf %add3A_136, %mul3A_139 : vector<512x1024xf32>
    %reduce_min3A_141 = arith.constant dense<0x7F800000> : vector<512xf32>
    %reduce_min3A_142 = vector.multi_reduction <minimumf>, %sub3A_140, %reduce_min3A_141 [1] : vector<512x1024xf32> to vector<512xf32>
    %iota3A_143 = tpu.iota {dimensions = array<i32: 1>} : vector<512x1024xi32>
    %add3A_144 = arith.constant 4096 : i32
    %add3A_145 = vector.broadcast %add3A_144 : i32 to vector<512x1024xi32>
    %add3A_146 = arith.addi %iota3A_143, %add3A_145 : vector<512x1024xi32>
    %broadcast_in_dim3A_147 = vector.shape_cast %reduce_min3A_142 : vector<512xf32> to vector<512x1xf32>
    %eq3A_148 = vector.broadcast %broadcast_in_dim3A_147 : vector<512x1xf32> to vector<512x1024xf32>
    %eq3A_149 = arith.cmpf oeq, %sub3A_140, %eq3A_148 : vector<512x1024xf32>
    %jit3A_150 = arith.constant 1073741824 : i32
    %broadcast_in_dim3A_151 = vector.broadcast %jit3A_150 : i32 to vector<512x1024xi32>
    %select_n3A_152 = arith.select %eq3A_149, %add3A_146, %broadcast_in_dim3A_151 : vector<512x1024xi1>, vector<512x1024xi32>
    %reduce_min3A_153 = arith.constant dense<2147483647> : vector<512xi32>
    %reduce_min3A_154 = vector.multi_reduction <minsi>, %select_n3A_152, %reduce_min3A_153 [1] : vector<512x1024xi32> to vector<512xi32>
    %lt3A_155 = arith.cmpf olt, %reduce_min3A_142, %select_n3A_125 : vector<512xf32>
    %select_n3A_156 = arith.select %lt3A_155, %reduce_min3A_154, %select_n3A_124 : vector<512xi1>, vector<512xi32>
    %select_n3A_157 = arith.select %lt3A_155, %reduce_min3A_142, %select_n3A_125 : vector<512xi1>, vector<512xf32>
    %get3A_158 = arith.constant 0 : index
    %get3A_159 = arith.constant 5120 : index
    %get3A_160 = vector.load %arg2[%get3A_158, %get3A_159] : memref<32x8192xf32, #tpu.memory_space<vmem>>, vector<32x1024xf32>
    %get3A_161 = arith.constant 0 : index
    %get3A_162 = arith.constant 5120 : index
    %get3A_163 = vector.load %arg3[%get3A_161, %get3A_162] : memref<1x8192xf32, #tpu.memory_space<vmem>>, vector<1x1024xf32>
    %dot_general3A_164 = arith.constant dense<0.000000e+00> : vector<512x1024xf32>
    %dot_general3A_165 = tpu.matmul %convert_element_type3A, %get3A_160, %dot_general3A_164 {dimension_numbers = #tpu.dot_dimension_numbers<[1], [0], [0], [1], [0, 0, 1, 1], [], []>, transpose_lhs_hint = false} : vector<512x32xbf16>, vector<32x1024xf32>, vector<512x1024xf32> -> vector<512x1024xf32>
    %add3A_166 = vector.broadcast %broadcast_in_dim3A : vector<512x1xf32> to vector<512x1024xf32>
    %add3A_167 = vector.broadcast %get3A_163 : vector<1x1024xf32> to vector<512x1024xf32>
    %add3A_168 = arith.addf %add3A_166, %add3A_167 : vector<512x1024xf32>
    %mul3A_169 = arith.constant 2.000000e+00 : f32
    %mul3A_170 = vector.broadcast %mul3A_169 : f32 to vector<512x1024xf32>
    %mul3A_171 = arith.mulf %mul3A_170, %dot_general3A_165 : vector<512x1024xf32>
    %sub3A_172 = arith.subf %add3A_168, %mul3A_171 : vector<512x1024xf32>
    %reduce_min3A_173 = arith.constant dense<0x7F800000> : vector<512xf32>
    %reduce_min3A_174 = vector.multi_reduction <minimumf>, %sub3A_172, %reduce_min3A_173 [1] : vector<512x1024xf32> to vector<512xf32>
    %iota3A_175 = tpu.iota {dimensions = array<i32: 1>} : vector<512x1024xi32>
    %add3A_176 = arith.constant 5120 : i32
    %add3A_177 = vector.broadcast %add3A_176 : i32 to vector<512x1024xi32>
    %add3A_178 = arith.addi %iota3A_175, %add3A_177 : vector<512x1024xi32>
    %broadcast_in_dim3A_179 = vector.shape_cast %reduce_min3A_174 : vector<512xf32> to vector<512x1xf32>
    %eq3A_180 = vector.broadcast %broadcast_in_dim3A_179 : vector<512x1xf32> to vector<512x1024xf32>
    %eq3A_181 = arith.cmpf oeq, %sub3A_172, %eq3A_180 : vector<512x1024xf32>
    %jit3A_182 = arith.constant 1073741824 : i32
    %broadcast_in_dim3A_183 = vector.broadcast %jit3A_182 : i32 to vector<512x1024xi32>
    %select_n3A_184 = arith.select %eq3A_181, %add3A_178, %broadcast_in_dim3A_183 : vector<512x1024xi1>, vector<512x1024xi32>
    %reduce_min3A_185 = arith.constant dense<2147483647> : vector<512xi32>
    %reduce_min3A_186 = vector.multi_reduction <minsi>, %select_n3A_184, %reduce_min3A_185 [1] : vector<512x1024xi32> to vector<512xi32>
    %lt3A_187 = arith.cmpf olt, %reduce_min3A_174, %select_n3A_157 : vector<512xf32>
    %select_n3A_188 = arith.select %lt3A_187, %reduce_min3A_186, %select_n3A_156 : vector<512xi1>, vector<512xi32>
    %select_n3A_189 = arith.select %lt3A_187, %reduce_min3A_174, %select_n3A_157 : vector<512xi1>, vector<512xf32>
    %get3A_190 = arith.constant 0 : index
    %get3A_191 = arith.constant 6144 : index
    %get3A_192 = vector.load %arg2[%get3A_190, %get3A_191] : memref<32x8192xf32, #tpu.memory_space<vmem>>, vector<32x1024xf32>
    %get3A_193 = arith.constant 0 : index
    %get3A_194 = arith.constant 6144 : index
    %get3A_195 = vector.load %arg3[%get3A_193, %get3A_194] : memref<1x8192xf32, #tpu.memory_space<vmem>>, vector<1x1024xf32>
    %dot_general3A_196 = arith.constant dense<0.000000e+00> : vector<512x1024xf32>
    %dot_general3A_197 = tpu.matmul %convert_element_type3A, %get3A_192, %dot_general3A_196 {dimension_numbers = #tpu.dot_dimension_numbers<[1], [0], [0], [1], [0, 0, 1, 1], [], []>, transpose_lhs_hint = false} : vector<512x32xbf16>, vector<32x1024xf32>, vector<512x1024xf32> -> vector<512x1024xf32>
    %add3A_198 = vector.broadcast %broadcast_in_dim3A : vector<512x1xf32> to vector<512x1024xf32>
    %add3A_199 = vector.broadcast %get3A_195 : vector<1x1024xf32> to vector<512x1024xf32>
    %add3A_200 = arith.addf %add3A_198, %add3A_199 : vector<512x1024xf32>
    %mul3A_201 = arith.constant 2.000000e+00 : f32
    %mul3A_202 = vector.broadcast %mul3A_201 : f32 to vector<512x1024xf32>
    %mul3A_203 = arith.mulf %mul3A_202, %dot_general3A_197 : vector<512x1024xf32>
    %sub3A_204 = arith.subf %add3A_200, %mul3A_203 : vector<512x1024xf32>
    %reduce_min3A_205 = arith.constant dense<0x7F800000> : vector<512xf32>
    %reduce_min3A_206 = vector.multi_reduction <minimumf>, %sub3A_204, %reduce_min3A_205 [1] : vector<512x1024xf32> to vector<512xf32>
    %iota3A_207 = tpu.iota {dimensions = array<i32: 1>} : vector<512x1024xi32>
    %add3A_208 = arith.constant 6144 : i32
    %add3A_209 = vector.broadcast %add3A_208 : i32 to vector<512x1024xi32>
    %add3A_210 = arith.addi %iota3A_207, %add3A_209 : vector<512x1024xi32>
    %broadcast_in_dim3A_211 = vector.shape_cast %reduce_min3A_206 : vector<512xf32> to vector<512x1xf32>
    %eq3A_212 = vector.broadcast %broadcast_in_dim3A_211 : vector<512x1xf32> to vector<512x1024xf32>
    %eq3A_213 = arith.cmpf oeq, %sub3A_204, %eq3A_212 : vector<512x1024xf32>
    %jit3A_214 = arith.constant 1073741824 : i32
    %broadcast_in_dim3A_215 = vector.broadcast %jit3A_214 : i32 to vector<512x1024xi32>
    %select_n3A_216 = arith.select %eq3A_213, %add3A_210, %broadcast_in_dim3A_215 : vector<512x1024xi1>, vector<512x1024xi32>
    %reduce_min3A_217 = arith.constant dense<2147483647> : vector<512xi32>
    %reduce_min3A_218 = vector.multi_reduction <minsi>, %select_n3A_216, %reduce_min3A_217 [1] : vector<512x1024xi32> to vector<512xi32>
    %lt3A_219 = arith.cmpf olt, %reduce_min3A_206, %select_n3A_189 : vector<512xf32>
    %select_n3A_220 = arith.select %lt3A_219, %reduce_min3A_218, %select_n3A_188 : vector<512xi1>, vector<512xi32>
    %select_n3A_221 = arith.select %lt3A_219, %reduce_min3A_206, %select_n3A_189 : vector<512xi1>, vector<512xf32>
    %get3A_222 = arith.constant 0 : index
    %get3A_223 = arith.constant 7168 : index
    %get3A_224 = vector.load %arg2[%get3A_222, %get3A_223] : memref<32x8192xf32, #tpu.memory_space<vmem>>, vector<32x1024xf32>
    %get3A_225 = arith.constant 0 : index
    %get3A_226 = arith.constant 7168 : index
    %get3A_227 = vector.load %arg3[%get3A_225, %get3A_226] : memref<1x8192xf32, #tpu.memory_space<vmem>>, vector<1x1024xf32>
    %dot_general3A_228 = arith.constant dense<0.000000e+00> : vector<512x1024xf32>
    %dot_general3A_229 = tpu.matmul %convert_element_type3A, %get3A_224, %dot_general3A_228 {dimension_numbers = #tpu.dot_dimension_numbers<[1], [0], [0], [1], [0, 0, 1, 1], [], []>, transpose_lhs_hint = false} : vector<512x32xbf16>, vector<32x1024xf32>, vector<512x1024xf32> -> vector<512x1024xf32>
    %add3A_230 = vector.broadcast %broadcast_in_dim3A : vector<512x1xf32> to vector<512x1024xf32>
    %add3A_231 = vector.broadcast %get3A_227 : vector<1x1024xf32> to vector<512x1024xf32>
    %add3A_232 = arith.addf %add3A_230, %add3A_231 : vector<512x1024xf32>
    %mul3A_233 = arith.constant 2.000000e+00 : f32
    %mul3A_234 = vector.broadcast %mul3A_233 : f32 to vector<512x1024xf32>
    %mul3A_235 = arith.mulf %mul3A_234, %dot_general3A_229 : vector<512x1024xf32>
    %sub3A_236 = arith.subf %add3A_232, %mul3A_235 : vector<512x1024xf32>
    %reduce_min3A_237 = arith.constant dense<0x7F800000> : vector<512xf32>
    %reduce_min3A_238 = vector.multi_reduction <minimumf>, %sub3A_236, %reduce_min3A_237 [1] : vector<512x1024xf32> to vector<512xf32>
    %iota3A_239 = tpu.iota {dimensions = array<i32: 1>} : vector<512x1024xi32>
    %add3A_240 = arith.constant 7168 : i32
    %add3A_241 = vector.broadcast %add3A_240 : i32 to vector<512x1024xi32>
    %add3A_242 = arith.addi %iota3A_239, %add3A_241 : vector<512x1024xi32>
    %broadcast_in_dim3A_243 = vector.shape_cast %reduce_min3A_238 : vector<512xf32> to vector<512x1xf32>
    %eq3A_244 = vector.broadcast %broadcast_in_dim3A_243 : vector<512x1xf32> to vector<512x1024xf32>
    %eq3A_245 = arith.cmpf oeq, %sub3A_236, %eq3A_244 : vector<512x1024xf32>
    %jit3A_246 = arith.constant 1073741824 : i32
    %broadcast_in_dim3A_247 = vector.broadcast %jit3A_246 : i32 to vector<512x1024xi32>
    %select_n3A_248 = arith.select %eq3A_245, %add3A_242, %broadcast_in_dim3A_247 : vector<512x1024xi1>, vector<512x1024xi32>
    %reduce_min3A_249 = arith.constant dense<2147483647> : vector<512xi32>
    %reduce_min3A_250 = vector.multi_reduction <minsi>, %select_n3A_248, %reduce_min3A_249 [1] : vector<512x1024xi32> to vector<512xi32>
    %lt3A_251 = arith.cmpf olt, %reduce_min3A_238, %select_n3A_221 : vector<512xf32>
    %select_n3A_252 = arith.select %lt3A_251, %reduce_min3A_250, %select_n3A_220 : vector<512xi1>, vector<512xi32>
    %swap3A = arith.constant 0 : index
    %swap3A_253 = arith.constant 0 : index
    %swap3A_254 = arith.constant 0 : index
    %swap3A_255 = vector.load %arg4[%swap3A, %swap3A_253, %swap3A_254] : memref<1x1x512xi32, #tpu.memory_space<vmem>>, vector<1x1x512xi32>
    %swap3A_256 = vector.shape_cast %swap3A_255 : vector<1x1x512xi32> to vector<512xi32>
    %swap3A_257 = vector.shape_cast %select_n3A_252 : vector<512xi32> to vector<1x1x512xi32>
    tpu.vector_store %arg4[%swap3A, %swap3A_253, %swap3A_254], %swap3A_257 {strides = array<i32>} : memref<1x1x512xi32, #tpu.memory_space<vmem>>, vector<1x1x512xi32>,
    return
  }
  func.func @transform_0(%arg0: i32) -> (i32, i32) {
    %c0_i32 = arith.constant 0 : i32
    %c0_i32_0 = arith.constant 0 : i32
    return %arg0, %c0_i32 : i32, i32
  }
  func.func @transform_1(%arg0: i32) -> (i32, i32) {
    %c0_i32 = arith.constant 0 : i32
    %c0_i32_0 = arith.constant 0 : i32
    %c0_i32_1 = arith.constant 0 : i32
    return %c0_i32, %c0_i32_0 : i32, i32
  }
  func.func @transform_2(%arg0: i32) -> (i32, i32) {
    %c0_i32 = arith.constant 0 : i32
    %c0_i32_0 = arith.constant 0 : i32
    %c0_i32_1 = arith.constant 0 : i32
    return %c0_i32, %c0_i32_0 : i32, i32
  }
  func.func @transform_3(%arg0: i32) -> (i32, i32, i32) {
    %c0_i32 = arith.constant 0 : i32
    %c0_i32_0 = arith.constant 0 : i32
    %c0_i32_1 = arith.constant 0 : i32
    return %arg0, %c0_i32, %c0_i32_0 : i32, i32, i32
  }
}

</mosaic_0001>

<sc_bundles>
// kernel: kernel.5.cloned.1.call-start
scs
__scs_entry_jumppad:
0x0: {  	(pc) =	sbr.rel $0x88, $3  }
0x1: {  	(tag) =	ssettag $0x0;
	lr =	simm.s32 $0x1  }
0x2: {  	[smem:$0x3F9F] =	sst lr;
	_ =	strace $0xD0000000  }
0x3: {  	_ = 	snop  }
0x4: {  	_ = 	snop  }
0x5: {  	_ = 	snop  }
0x6: {  	_ = 	snop  }
0x7: {  	_ = 	snop  }
__scs_overlays_trampoline_lowered:
0x8: {  	[smem:$0x3FAE] =	sst s0  }
0x9: {  	[smem:$0x3FAF] =	sst s1  }
0xa: {  	[smem:$0x3FB0] =	sst s2  }
0xb: {  	[smem:$0x3FB1] =	sst s3  }
0xc: {  	[smem:$0x3FB2] =	sst s4  }
0xd: {  	[smem:$0x3FB3] =	sst s5  }
0xe: {  	[smem:$0x3FB4] =	sst s6  }
0xf: {  	[smem:$0x3FB5] =	sst s7  }
0x10: {  	[smem:$0x3FB6] =	sst s8  }
0x11: {  	[smem:$0x3FB7] =	sst s9;
	s0 =	simm.s32 @!p0 $0x0  }
0x12: {  	s1 =	sld [smem:$0x3F9D];
	s0 =	simm.s32 @p0 $0x1  }
0x13: {  	[smem:$0x3FB8] =	sst s0;
	s0 =	simm.s32 @!p1 $0x0  }
0x14: {  	s2 =	sld [smem:$0x3F9C];
	s0 =	simm.s32 @p1 $0x1  }
0x15: {  	[smem:$0x3FB9] =	sst s0;
	s0 =	simm.s32 @!p2 $0x0  }
0x16: {  	s3 =	sld [smem:$0x3FDB];
	s0 =	simm.s32 @p2 $0x1  }
0x17: {  	s4 =	simm.s32 $0x1BF5;
	[smem:$0x3FBB] =	sst s0  }
0x18: {  	s0 =	sld [smem:$0x3F9E];
	_ =	swait.ge [sflag:s4], $0x0  }
0x19: {  	s7 =	sld [smem:$0x3F9F]  }
0x1a: {  	s8 =	sadd.s32 $0xFFFFE003, lr  }
0x1b: {  	s9 =	sadd.s32 $0xFFFFFEF7, lr;
	s5 =	simm.s32 $0xFFFFFFFF;
	p2 =	slt.u32 s8, $0xFFFFF086  }
0x1c: {  	p1 =	slt.u32 s9, $0xF7A;
	s5 =	simm.s32 @!p2 $0x0  }
0x1d: {  	s5 =	simm.s32 @p1 $0x1;
	p0 =	seq.s32 s7, s2  }
0x1e: {  	s7 =	smul.u32 @!p0 $0xF7A, s2;
	p2 =	seq.s32 @!p0 s5, $0x0  }
0x1f: {  	s9 =	smul.u32 $0xF7A, s1;
	s8 =	simm.s32 @!p0 $0x1BF5;
	p2 =	por !p2, p0  }
0x20: {  	[sflag:s8] =	ssyncset.s32 @!p0 $0xFFFFF086;
	s6 =	sadd.s32 @!p0 s3, s7;
	s7 =	simm.s32 @!p0 $0x108  }
0x21: {  	s3 =	sadd.s32 s3, s9;
	s6 =	sadd.s32 @!p0 $0x88, s6;
	s7 =	simm.s32 @p2 $0x1082  }
0x22: {  	[simem:s7], [sflag:s8] =	dma.local @!p0 [hbm:s6], $0xF7A  }
0x23: {  	s9 =	sor.u32 $0xD0000000, s2;
	s6 =	simm.s32 $0x108;
	_ =	swait.ge @!p0 [sflag:s8], $0x0  }
0x24: {  	s3 =	sadd.s32 $0x88, s3;
	s6 =	simm.s32 @!p1 $0x1082;
	[sflag:s4] =	ssyncset.s32 $0xFFFFF086  }
0x25: {  	[simem:s6], [sflag:s4] =	dma.local [hbm:s3], $0xF7A  }
0x26: {  	[smem:$0x3F9F] =	sst s1;
	(tag) =	ssettag s2;
	_ =	strace s9  }
0x27: {  	s1 =	sld [smem:$0x3FAF]  }
0x28: {  	s2 =	sld [smem:$0x3FB0]  }
0x29: {  	s4 =	sld [smem:$0x3FB2]  }
0x2a: {  	p0 =	seq.s32 s5, $0x0;
	s5 =	sld [smem:$0x3FB3]  }
0x2b: {  	s6 =	sld [smem:$0x3FB4]  }
0x2c: {  	s7 =	sld [smem:$0x3FB5]  }
0x2d: {  	s3 =	simm.s32 $0x108;
	s8 =	sld [smem:$0x3FB6]  }
0x2e: {  	s3 =	simm.s32 @!p0 $0x1082;
	s9 =	sld [smem:$0x3FB7]  }
0x2f: {  	lr =	sadd.s32 s0, s3;
	s0 =	sld [smem:$0x3FAE]  }
0x30: {  	s3 =	sld [smem:$0x3FB1]  }
0x31: {  	[smem:$0x3FBA] =	sst s10  }
0x32: {  	s10 =	sld [smem:$0x3FB8];
	_ =	sdelay $0x3  }
0x33: {  	p0 =	seq.s32 s10, $0x1;
	s10 =	sld [smem:$0x3FBA];
	_ =	sdelay $0x3  }
0x34: {  	[smem:$0x3FBA] =	sst s10  }
0x35: {  	s10 =	sld [smem:$0x3FB9];
	_ =	sdelay $0x3  }
0x36: {  	p1 =	seq.s32 s10, $0x1;
	s10 =	sld [smem:$0x3FBA];
	_ =	sdelay $0x3  }
0x37: {  	[smem:$0x3FBA] =	sst s10  }
0x38: {  	s10 =	sld [smem:$0x3FBB]  }
0x39: {  	_ = 	snop;
	(pc) =	sbr.ind lr, $3  }
0x3a: {  	_ = 	snop  }
0x3b: {  	_ = 	snop  }
0x3c: {  	p2 =	seq.s32 s10, $0x1;
	s10 =	sld [smem:$0x3FBA]  }
0x3d: {  	_ =	shalt  }
0x3e: {  	_ =	shalt  }
0x3f: {  	_ =	shalt  }
0x40: {  	_ =	shalt  }
0x41: {  	_ =	shalt  }
0x42: {  	_ =	shalt  }
0x43: {  	_ =	shalt  }
0x44: {  	_ =	shalt  }
0x45: {  	_ =	shalt  }
0x46: {  	_ =	shalt  }
0x47: {  	_ =	shalt  }
0x48: {  	_ =	shalt  }
0x49: {  	_ =	shalt  }
0x4a: {  	_ =	shalt  }
0x4b: {  	_ =	shalt  }
0x4c: {  	_ =	shalt  }
0x4d: {  	_ =	shalt  }
0x4e: {  	_ =	shalt  }
0x4f: {  	_ =	shalt  }
0x50: {  	_ =	shalt  }
0x51: {  	_ =	shalt  }
0x52: {  	_ =	shalt  }
0x53: {  	_ =	shalt  }
0x54: {  	_ =	shalt  }
0x55: {  	_ =	shalt  }
0x56: {  	_ =	shalt  }
0x57: {  	_ =	shalt  }
0x58: {  	_ =	shalt  }
0x59: {  	_ =	shalt  }
0x5a: {  	_ =	shalt  }
0x5b: {  	_ =	shalt  }
0x5c: {  	_ =	shalt  }
0x5d: {  	_ =	shalt  }
0x5e: {  	_ =	shalt  }
0x5f: {  	_ =	shalt  }
0x60: {  	_ =	shalt  }
0x61: {  	_ =	shalt  }
0x62: {  	_ =	shalt  }
0x63: {  	_ =	shalt  }
0x64: {  	_ =	shalt  }
0x65: {  	_ =	shalt  }
0x66: {  	_ =	shalt  }
0x67: {  	_ =	shalt  }
0x68: {  	_ =	shalt  }
0x69: {  	_ =	shalt  }
0x6a: {  	_ =	shalt  }
0x6b: {  	_ =	shalt  }
0x6c: {  	_ =	shalt  }
0x6d: {  	_ =	shalt  }
0x6e: {  	_ =	shalt  }
0x6f: {  	_ =	shalt  }
0x70: {  	_ =	shalt  }
0x71: {  	_ =	shalt  }
0x72: {  	_ =	shalt  }
0x73: {  	_ =	shalt  }
0x74: {  	_ =	shalt  }
0x75: {  	_ =	shalt  }
0x76: {  	_ =	shalt  }
0x77: {  	_ =	shalt  }
0x78: {  	_ =	shalt  }
0x79: {  	_ =	shalt  }
0x7a: {  	_ =	shalt  }
0x7b: {  	_ =	shalt  }
0x7c: {  	_ =	shalt  }
0x7d: {  	_ =	shalt  }
0x7e: {  	_ =	shalt  }
0x7f: {  	_ =	shalt  }
0x80: {  	_ =	shalt  }
0x81: {  	_ =	shalt  }
0x82: {  	_ =	shalt  }
0x83: {  	_ =	shalt  }
0x84: {  	_ =	shalt  }
0x85: {  	_ =	shalt  }
0x86: {  	_ =	shalt  }
0x87: {  	_ =	shalt  }
.Lfunc_end0:
.L_simem_size_0:
called_computation_lowered:
.L_overlay_start_0:
0x88: {  	s2 =	sld [smem:$0x3FD9]  }
0x89: {  	s3 =	sld [smem:$0x3FFE];
	_ =	sdelay $0x1  }
0x8a: {  	s1 =	srdreg.scid  }
0x8b: {  	s0 =	sand.u32 $0x1, s1  }
0x8c: {  	s14 =	sshll.u32 s0, $0xA;
	s2 =	sadd.s32 s3, s2  }
0x8d: {  	s2 =	sadd.s32 s2, s14  }
0x8e: {  	[smem:$0x3FC6] =	sst s2  }
0x8f: {  	_ = 	snop  }
0x90: {  	s2 =	sld [smem:$0x3FD0];
	_ =	sdelay $0x2  }
0x91: {  	s15 =	simm.s32 $0xA;
	s4 =	simm.s32 $0x10  }
0x92: {  	[smem:s4], [sflag:s15] =	dma.local [hbm:s2], $0x1  }
0x93: {  	_ =	swait.eq [sflag:s15], $0x1  }
0x94: {  	[sflag:s15] =	ssyncset.done $0x0  }
0x95: {  	[sflag:s15] =	ssyncadd.s32 $0xFFFFFFFF  }
0x96: {  	s16 =	sld [smem:$0x10];
	(tm) =	ssettm $0x1  }
0x97: {  	s17 =	sld [smem:$0x3FFB];
	_ =	sdelay $0x3  }
0x98: {  	_ =	strace s17  }
0x99: {  	s3 =	sld [smem:$0x3FFC];
	_ =	sdelay $0x3  }
0x9a: {  	_ =	strace s3  }
0x9b: {  	s3 =	sld [smem:$0x3FFD];
	_ =	sdelay $0x3  }
0x9c: {  	_ =	strace s3  }
0x9d: {  	_ =	strace $0x8FFFFFFF  }
0x9e: {  	s18 =	sld [smem:$0x3FDB];
	_ =	sdelay $0x1  }
0x9f: {  	s19 =	simm.s32 $_scs_section_size  }
0xa0: {  	s5 =	simm.s32 $_size__tile_overlayer_lowered;
	s6 =	simm.s32 $_tile_overlayer_lowered  }
0xa1: {  	s22 =	simm.s32 $0x1BFF;
	s21 =	sshll.u32 s6, $0x1;
	s3 =	sadd.s32 s19, s18  }
0xa2: {  	s7 =	simm.s32 $0x0;
	s20 =	sshll.u32 s5, $0x1;
	s5 =	sadd.s32 s21, s3  }
0xa3: {  	[timem:s7], [sflag:s22] =	dma.local [hbm:s5], s20  }
0xa4: {  	_ =	swait.ge [sflag:s22], s20  }
0xa5: {  	s4 =	ssub.s32 $0x0, s20;
	[sflag:s22] =	ssyncset.done $0x0  }
0xa6: {  	[sflag:s22] =	ssyncadd.s32 s4;
	_ =	sdelay $0x1  }
0xa7: {  	s23 =	simm.s32 $0x1B8B  }
0xa8: {  	_ =	swait.ge [sflag:s23], $0x1  }
0xa9: {  	[sflag:s23] =	ssyncset.done $0x0  }
0xaa: {  	s25 =	simm.s32 $0x1B8E;
	s24 =	sld [smem:$0x3FFE];
	[sflag:s23] =	ssyncadd.s32 $0xFFFFFFFF  }
0xab: {  	s26 =	simm.s32 $execute0_lowered;
	[smem:$0x3FD2] =	sst s25  }
0xac: {  	s5 =	sshll.u32 s26, $0x1;
	_ =	strace $0x80000046;
	[dreg:$0x1] =	wrdreg $0xFFFFFFFF  }
0xad: {  	s28 =	simm.s32 $_size_execute0_lowered;
	s3 =	sadd.s32 s3, s5;
	[dreg:$0x0] =	wrdreg $0x0  }
0xae: {  	s5 =	sshll.u32 s28, $0x1;
	[dreg:$0x2] =	wrdreg s3  }
0xaf: {  	[dreg:$0x3] =	wrdreg s5  }
0xb0: {  	[dreg:$0x4] =	wrdreg $0xC0  }
0xb1: {  	_ =	task [dreg:s7], $0x5FFFF  }
0xb2: {  	[dreg:$0x1] =	wrdreg $0xFFFFFFFF  }
0xb3: {  	[dreg:$0x0] =	wrdreg $0x60  }
0xb4: {  	[dreg:$0x2] =	wrdreg s24  }
0xb5: {  	[dreg:$0x3] =	wrdreg s16  }
0xb6: {  	[dreg:$0x4] =	wrdreg $0x9  }
0xb7: {  	_ =	task.clear_ibuf [dreg:s7], $0x5FFFF;
	_ =	strace $0x90000046  }
0xb8: {  	s29 =	simm.s32 $0x9;
	_ =	strace $0x80000048  }
0xb9: {  	_ =	swait.ge [sflag:s29], $0x1  }
0xba: {  	[sflag:s29] =	ssyncadd.s32 $0xFFFFFFFF  }
0xbb: {  	_ =	strace $0x90000048  }
0xbc: {  	_ =	sfence  }
0xbd: {  	s30 =	sld [smem:$0x0];
	_ =	sdelay $0x2  }
0xbe: {  	s31 =	sshll.u32 s1, $0xD;
	s1 =	sshrl.u32 s1, $0x2  }
0xbf: {  	s3 =	sand.u32 $0x4000, s31;
	s1 =	sadd.s32 s1, s30  }
0xc0: {  	s0 =	sor.u32 s3, s0;
	s1 =	sshll.u32 s1, $0x11  }
0xc1: {  	s0 =	sor.u32 s1, s0  }
0xc2: {  	s0 =	sadd.s32 $0x8F2B, s0  }
0xc3: {  	[sflag:s0] =	ssyncadd.remote.s32 $0x1  }
0xc4: {  	_ =	sfence.sel $0xFFFF  }
0xc5: {  	[dreg:$0x0] =	wrdreg $0xFFFFFFFF;
	(pc) =	sbr.abs _section_cstart, $3  }
0xc6: {  	[dreg:$0x1] =	wrdreg $0xFFFFFFFF  }
0xc7: {  	_ =	task.clear_ibuf [dreg:s7], $0x2FFFF;
	_ =	strace $0x9FFFFFFF  }
0xc8: {  	(tm) =	ssettm $0x7FFFFFFF  }
0xc9: {  	_ =	shalt  }
tec
execute0_lowered:
.L_overlay_start_1:
0x0: {  	(tag) =	ssettag $0x1  }
0x1: {  	s1 =	srdreg.scid  }
0x2: {  	s8 =	rddreg [dreg:$0x0];
	s0 =	stileid.u32  }
0x3: {  	s3 =	rddreg [dreg:$0x1];
	s2 =	simm.s32 $0x0;
	s6 =	sand.u32 $0x1, s1  }
0x4: {  	s4 =	sshll.u32 s0, $0xA;
	s1 =	rddreg [dreg:$0x2];
	s5 =	sshll.u32 s6, $0x9  }
0x5: {  	s7 =	simm.s32 $0x1;
	[smem:$0x7FF] =	sst s2;
	s9 =	sor.u32 s5, s4  }
0x6: {  	_ =	strace $0x80000047;
	s10 =	ssub.s32 $0x2, s6;
	s4 =	sshrl.u32 s9, $0x3  }
0x7: {  	s6 =	simm.s32 $0x200;
	s4 =	sadd.s32 s3, s4;
	s3 =	simm.s32 $0x2  }
0x8: {  	[tilespmem:s2], [sflag:$0x2] =	stream.linear.gather [hbm4b:s4+s2], $0x200, $0x38;
	[tilespmem:$0x10200] =	vst v63  }
0x9: {  	s5 =	sadd.s32 $0x800, s8;
	s11 =	sshrl.u32 s10, $0x1;
	_ =	swait.ge [sflag:s3], $0x200  }
0xa: {  	s9 =	sshll.u32 s9, $0x4;
	s31 =	ssub.s32 s10, s11;
	[sflag:s3] =	ssyncset.done $0x0  }
0xb: {  	s8 =	sadd.s32 s9, s8;
	s9 =	smax.u32 s31, $0x1;
	[sflag:s3] =	ssyncadd.s32 $0xFFFFFE00  }
0xc: {  	[tilespmem:s6], [sflag:$0x1] =	stream.indirect.gather [hbm4b:s5+s6], $0x80, s2, s6, $0xb8;
	[tilespmem:$0x10200] =	vst v63  }
0xd: {  	p0 =	sne.s32 s9, $0x1;
	_ =	swait.ge [sflag:s7], $0x10000  }
.Ltmp0:
0xe: {  	[sflag:s7] =	ssyncset.done $0x0;
	(pc) =	sbr.rel @!p0 .LBB2_2-.Ltmp0, $4  }
0xf: {  	s8 =	sadd.s32 $0x20800, s8;
	[sflag:s7] =	ssyncadd.s32 $0xFFFF0000  }
0x10: {  	[hbm4b:s8+s2] =	stream.linear.scatter [tilespmem:s6], [sflag:$0x2], $0x10000, $0x38;
	[tilespmem:$0x10200] =	vst v63  }
0x11: {  	_ =	swait.ge [sflag:s3], $0x10000  }
0x12: {  	s9 =	sadd.s32 $0xFFFFFFFF, s9;
	[sflag:s3] =	ssyncset.done $0x0  }
.LBB2_1:
0x13: {  	p0 =	sne.s32 s9, $0x1;
	s9 =	sadd.s32 $0xFFFFFFFF, s9;
	[sflag:s3] =	ssyncadd.s32 $0xFFFF0000  }
0x14: {  	[tilespmem:s2], [sflag:$0x2] =	stream.linear.gather [hbm4b:s4+s2], $0x200, $0x38;
	[tilespmem:$0x10200] =	vst v63  }
0x15: {  	_ =	swait.ge [sflag:s3], $0x200  }
0x16: {  	[sflag:s3] =	ssyncset.done $0x0  }
0x17: {  	[sflag:s3] =	ssyncadd.s32 $0xFFFFFE00  }
0x18: {  	[tilespmem:s6], [sflag:$0x1] =	stream.indirect.gather [hbm4b:s5+s6], $0x80, s2, s6, $0xb8;
	[tilespmem:$0x10200] =	vst v63  }
0x19: {  	_ =	swait.ge [sflag:s7], $0x10000  }
.Ltmp1:
0x1a: {  	[sflag:s7] =	ssyncset.done $0x0;
	(pc) =	sbr.rel @p0 .LBB2_1-.Ltmp1, $4  }
0x1b: {  	[sflag:s7] =	ssyncadd.s32 $0xFFFF0000  }
0x1c: {  	[hbm4b:s8+s2] =	stream.linear.scatter [tilespmem:s6], [sflag:$0x2], $0x10000, $0x38;
	[tilespmem:$0x10200] =	vst v63  }
0x1d: {  	_ =	swait.ge [sflag:s3], $0x10000  }
0x1e: {  	[sflag:s3] =	ssyncset.done $0x0  }
.LBB2_2:
0x1f: {  	[sflag:s3] =	ssyncadd.s32 $0xFFFF0000  }
0x20: {  	_ =	sfence.sel $0x180000  }
0x21: {  	[bflag:$0x0] =	sbarrier.arrive $0xFFFF  }
0x22: {  	p0 =	sne.s32 s0, $0x0;
	_ =	strace $0x90000047  }
0x23: {  	s0 =	sadd.s32 @!p0 $0x100000, s1;
	[bflag:$0x2] =	sbarrier.arrive $0xFFFF  }
0x24: {  	[sflag:s0] =	ssyncadd.tile.s32 @!p0 $0x1;
	_ =	shalt  }
.Lfunc_end2:
_tile_overlayer_lowered:
.L_overlay_start_2:
0x25: {  	(tag) =	ssettag $0x2  }
0x26: {  	s0 =	rddreg [dreg:$0x0];
	s2 =	stileid.u32  }
0x27: {  	s1 =	rddreg [dreg:$0x1];
	p0 =	sne.s32 s2, $0x0  }
0x28: {  	s3 =	rddreg [dreg:$0x2];
	[bflag:$0x3] =	sbarrier.arrive $0xFFFF;
	s2 =	simm.s32 @!p0 $0x1C02  }
0x29: {  	[timem:s3], [sflag:s2] =	dma.local @!p0 [hbm:s0], s1  }
0x2a: {  	s0 =	simm.s32 @!p0 $0x2  }
0x2b: {  	_ =	swait.ge @!p0 [sflag:s0], s1  }
0x2c: {  	s1 =	ssub.s32 @!p0 $0x0, s1;
	[sflag:s0] =	ssyncset.done @!p0 $0x0  }
0x2d: {  	[sflag:s0] =	ssyncadd.s32 @!p0 s1  }
0x2e: {  	[bflag:$0x3] =	sbarrier.arrive $0xFFFF  }
0x2f: {  	_ =	shalt  }

</sc_bundles>
